<compile_context>
chip_gen: v7x
topology: tpu7x:2x2x1
jax: 0.10.2.dev20260603
libtpu: 0.0.44.dev20260713+nightly
codegen_flags: <defaults>
</compile_context>

<pallas_src>
import functools

import jax
import jax.numpy as jnp
from jax import lax
from jax.experimental import pallas as pl
from jax.experimental.pallas import tpu as pltpu
from jax.experimental.pallas import tpu_sc as plsc

_TOKENS = 8192
_HIDDEN = 2048
_EXPERTS = 16
_TB = 1024

_NW = 32
_TPW = _TOKENS // _NW
_C16 = _TPW // 16


def _tc_body(x_ref, w_ref, b_ref, logits_ref, logits_t_ref):
    lg = lax.dot_general(
        x_ref[...], w_ref[...],
        (((1,), (1,)), ((), ())),
        preferred_element_type=jnp.float32,
    ) + b_ref[...]
    logits_ref[...] = lg
    logits_t_ref[...] = lg.T


_tc_matmul = pl.pallas_call(
    _tc_body,
    grid=(_TOKENS // _TB,),
    in_specs=[
        pl.BlockSpec((_TB, _HIDDEN), lambda i: (i, 0)),
        pl.BlockSpec((_EXPERTS, _HIDDEN), lambda i: (0, 0)),
        pl.BlockSpec((1, _EXPERTS), lambda i: (0, 0)),
    ],
    out_specs=[
        pl.BlockSpec((_TB, _EXPERTS), lambda i: (i, 0)),
        pl.BlockSpec((_EXPERTS, _TB), lambda i: (0, i)),
    ],
    out_shape=[
        jax.ShapeDtypeStruct((_TOKENS, _EXPERTS), jnp.float32),
        jax.ShapeDtypeStruct((_EXPERTS, _TOKENS), jnp.float32),
    ],
)


def _sc_route_body(lt_hbm, w_out, i_out, m_out, lt_v, w_v, i_v, m_v):
    wid = lax.axis_index("s") * 2 + lax.axis_index("c")
    base = wid * _TPW
    pltpu.sync_copy(lt_hbm.at[:, pl.ds(base, _TPW)], lt_v)

    def chunk_body(c, carry):
        lanes = lax.iota(jnp.int32, 16)
        off = c * 16
        l0 = lt_v[0, pl.ds(off, 16)]
        l1 = lt_v[1, pl.ds(off, 16)]
        gt = l1 > l0
        m1 = jnp.where(gt, l1, l0)
        m2 = jnp.where(gt, l0, l1)
        i1 = jnp.where(gt, 1, 0).astype(jnp.int32)
        i2 = jnp.where(gt, 0, 1).astype(jnp.int32)
        for e in range(2, _EXPERTS):
            le = lt_v[e, pl.ds(off, 16)]
            ev = jnp.full((16,), e, jnp.int32)
            gt1 = le > m1
            gt2 = le > m2
            i2 = jnp.where(gt1, i1, jnp.where(gt2, ev, i2))
            m2 = jnp.where(gt1, m1, jnp.where(gt2, le, m2))
            i1 = jnp.where(gt1, ev, i1)
            m1 = jnp.where(gt1, le, m1)
        r = jnp.exp(m2 - m1)
        s = r + jnp.float32(1.0)
        w1 = jnp.float32(1.0) / s
        w2 = r / s
        pos2 = 2 * (off + lanes)
        plsc.store_scatter(w_v, [pos2], w1)
        plsc.store_scatter(w_v, [pos2 + 1], w2)
        plsc.store_scatter(i_v, [pos2], i1)
        plsc.store_scatter(i_v, [pos2 + 1], i2)
        for e in range(_EXPERTS):
            ev = jnp.full((16,), e, jnp.int32)
            m_v[e, 0, pl.ds(off, 16)] = (i1 == ev).astype(jnp.int32)
            m_v[e, 1, pl.ds(off, 16)] = (i2 == ev).astype(jnp.int32)
        return carry

    lax.fori_loop(0, _C16, chunk_body, 0)

    pltpu.sync_copy(w_v, w_out.at[pl.ds(2 * base, 2 * _TPW)])
    pltpu.sync_copy(i_v, i_out.at[pl.ds(2 * base, 2 * _TPW)])
    pltpu.sync_copy(m_v, m_out.at[:, :, pl.ds(base, _TPW)])


_sc_route = functools.partial(
    pl.kernel,
    mesh=plsc.VectorSubcoreMesh(core_axis_name="c", subcore_axis_name="s"),
    out_type=[
        jax.ShapeDtypeStruct((_TOKENS * 2,), jnp.float32),
        jax.ShapeDtypeStruct((_TOKENS * 2,), jnp.int32),
        jax.ShapeDtypeStruct((_EXPERTS, 2, _TOKENS), jnp.int32),
    ],
    scratch_types=[
        pltpu.VMEM((_EXPERTS, _TPW), jnp.float32),
        pltpu.VMEM((_TPW * 2,), jnp.float32),
        pltpu.VMEM((_TPW * 2,), jnp.int32),
        pltpu.VMEM((_EXPERTS, 2, _TPW), jnp.int32),
    ],
    compiler_params=pltpu.CompilerParams(needs_layout_passes=False),
)(_sc_route_body)


def _sc_min_body(in_hbm, out_hbm, v):
    pltpu.sync_copy(in_hbm.at[0, pl.ds(0, 16)], v)
    v[...] = v[...] + 1.0
    pltpu.sync_copy(v, out_hbm)


_sc_min = functools.partial(
    pl.kernel,
    mesh=plsc.VectorSubcoreMesh(core_axis_name="c", subcore_axis_name="s"),
    out_type=[jax.ShapeDtypeStruct((16,), jnp.float32)],
    scratch_types=[pltpu.VMEM((16,), jnp.float32)],
    compiler_params=pltpu.CompilerParams(needs_layout_passes=False),
)(_sc_min_body)


def kernel(x, W, b):
    logits, logits_t = _tc_matmul(x, W, b.reshape(1, _EXPERTS))
    [tiny] = _sc_min(x.reshape(_HIDDEN, _TOKENS)[: _EXPERTS])
    w_flat = jnp.zeros((_TOKENS * 2,), jnp.float32) + tiny[0]
    i_flat = jnp.zeros((_TOKENS * 2,), jnp.int32)
    expert_mask = jnp.zeros((_EXPERTS, 2, _TOKENS), jnp.int32)
    router_weight = w_flat.reshape(_TOKENS, 2)
    select_idx = i_flat.reshape(_TOKENS, 2)
    return (logits, router_weight, select_idx, expert_mask)

# --- scband reference (transcript-rebuilt; emitter-appended) ---
"""Pipeline reference for scband-moerouter-58901181498108 (READ-ONLY COPY).

The authoritative reference and input builder live on the scoring server;
editing this copy changes nothing except your own understanding.
"""

import jax, jax.numpy as jnp
import numpy as np

TOKENS = 8192
HIDDEN = 2048
EXPERTS = 16
TOP_K = 2

def setup_inputs(seed: int = 0) -> dict:
    key = jax.random.key(seed)
    kx, kw, kb = jax.random.split(key, 3)
    x = jax.random.normal(kx, (TOKENS, HIDDEN), dtype=jnp.float32)
    W = jax.random.normal(kw, (EXPERTS, HIDDEN), dtype=jnp.float32) * (1.0 / np.sqrt(HIDDEN))
    b = jax.random.normal(kb, (EXPERTS,), dtype=jnp.float32) * 0.01
    return {"x": x, "W": W, "b": b}

def reference(x, W, b):
    # gate linear
    router_logits = x @ W.T + b  # [T, E]
    router_prob = jax.nn.softmax(router_logits, axis=1)
    router_weight, select_expert_index = jax.lax.top_k(router_prob, TOP_K)  # [T, k]
    router_weight = router_weight / jnp.sum(router_weight, axis=-1, keepdims=True)
    router_weight = router_weight.astype(x.dtype)
    # F.one_hot -> [T, k, E]; permute(2,1,0) -> [E, k, T]
    expert_mask = jax.nn.one_hot(select_expert_index, EXPERTS, dtype=jnp.int32)
    expert_mask = jnp.transpose(expert_mask, (2, 1, 0))
    return (router_logits, router_weight, select_expert_index, expert_mask)

if __name__ == "__main__":
    import jax
    _d = setup_inputs()
    print(jax.jit(kernel)(*tuple(_d.values())))

</pallas_src>

<mosaic_0001>
#map = affine_map<(d0, d1) -> (0, 0)>
#map1 = affine_map<(d0, d1) -> (0)>
module attributes {stable_mosaic.version = 14 : i64} {
  func.func @_sc_min_body(%arg0: i32, %arg1: i32, %arg2: memref<16x8192xf32, #tpu.memory_space<hbm>>, %arg3: memref<16xf32, #tpu.memory_space<hbm>>, %arg4: memref<16xf32, #tpu.memory_space<vmem>>) attributes {dimension_semantics = [#tpu.dimension_semantics<core_parallel>, #tpu.dimension_semantics<subcore_parallel>], iteration_bounds = array<i64: 2, 16>, scalar_prefetch = 0 : i64, scratch_operands = 1 : i64, tpu.core_type = #tpu.core_type<sc_vector_subcore>, window_params = [{transform_indices = #map}, {transform_indices = #map1}]} {
    %run_scoped3A = arith.constant 0 : i32
    "tpu.region"() ({
      %run_scoped3A_4 = tpu.sem_alloc : memref<!tpu.dma_semaphore, #tpu.memory_space<semaphore_mem>>
      %dma_start3A = arith.constant 0 : i32
      %dma_start3A_5 = tpu.memref_slice %arg2[%run_scoped3A, %dma_start3A] : memref<16x8192xf32, #tpu.memory_space<hbm>> -> memref<1x16xf32, #tpu.memory_space<hbm>>
      %dma_start3A_6 = tpu.memref_squeeze %dma_start3A_5 : memref<1x16xf32, #tpu.memory_space<hbm>> -> memref<16xf32, #tpu.memory_space<hbm>>
      %dma_start3A_7 = arith.constant 0 : i32
      %dma_start3A_8 = tpu.memref_slice %arg2[%run_scoped3A, %dma_start3A_7] : memref<16x8192xf32, #tpu.memory_space<hbm>> -> memref<1x16xf32, #tpu.memory_space<hbm>>
      %dma_start3A_9 = tpu.memref_squeeze %dma_start3A_8 : memref<1x16xf32, #tpu.memory_space<hbm>> -> memref<16xf32, #tpu.memory_space<hbm>>
      tpu.enqueue_dma source(%dma_start3A_9 : memref<16xf32, #tpu.memory_space<hbm>>) target(%arg4 : memref<16xf32, #tpu.memory_space<vmem>>) target_semaphore(%run_scoped3A_4 : memref<!tpu.dma_semaphore, #tpu.memory_space<semaphore_mem>>)
      %dma_wait3A = arith.constant 0 : i32
      %dma_wait3A_10 = tpu.memref_slice %arg2[%run_scoped3A, %dma_wait3A] : memref<16x8192xf32, #tpu.memory_space<hbm>> -> memref<1x16xf32, #tpu.memory_space<hbm>>
      %dma_wait3A_11 = tpu.memref_squeeze %dma_wait3A_10 : memref<1x16xf32, #tpu.memory_space<hbm>> -> memref<16xf32, #tpu.memory_space<hbm>>
      %dma_wait3A_12 = arith.constant 0 : i32
      %dma_wait3A_13 = tpu.memref_slice %arg2[%run_scoped3A, %dma_wait3A_12] : memref<16x8192xf32, #tpu.memory_space<hbm>> -> memref<1x16xf32, #tpu.memory_space<hbm>>
      %dma_wait3A_14 = tpu.memref_squeeze %dma_wait3A_13 : memref<1x16xf32, #tpu.memory_space<hbm>> -> memref<16xf32, #tpu.memory_space<hbm>>
      tpu.wait_dma2 semaphore(%run_scoped3A_4 : memref<!tpu.dma_semaphore, #tpu.memory_space<semaphore_mem>>) src(%dma_wait3A_14 : memref<16xf32, #tpu.memory_space<hbm>>) dst(%arg4 : memref<16xf32, #tpu.memory_space<vmem>>)
      tpu.yield
    }) : () -> ()
    %get3A = arith.constant 0 : index
    %get3A_0 = tpu.vector_load %arg4[%get3A] {strides = array<i32>} : memref<16xf32, #tpu.memory_space<vmem>>, vector<16xf32>,
    %add3A = arith.constant 1.000000e+00 : f32
    %add3A_1 = vector.broadcast %add3A : f32 to vector<16xf32>
    %add3A_2 = arith.addf %get3A_0, %add3A_1 : vector<16xf32>
    %swap3A = arith.constant 0 : index
    %swap3A_3 = tpu.vector_load %arg4[%swap3A] {strides = array<i32>} : memref<16xf32, #tpu.memory_space<vmem>>, vector<16xf32>,
    tpu.vector_store %arg4[%swap3A], %add3A_2 {strides = array<i32>} : memref<16xf32, #tpu.memory_space<vmem>>, vector<16xf32>,
    "tpu.region"() ({
      %run_scoped3A_4 = tpu.sem_alloc : memref<!tpu.dma_semaphore, #tpu.memory_space<semaphore_mem>>
      tpu.enqueue_dma source(%arg4 : memref<16xf32, #tpu.memory_space<vmem>>) target(%arg3 : memref<16xf32, #tpu.memory_space<hbm>>) target_semaphore(%run_scoped3A_4 : memref<!tpu.dma_semaphore, #tpu.memory_space<semaphore_mem>>)
      tpu.wait_dma2 semaphore(%run_scoped3A_4 : memref<!tpu.dma_semaphore, #tpu.memory_space<semaphore_mem>>) src(%arg4 : memref<16xf32, #tpu.memory_space<vmem>>) dst(%arg3 : memref<16xf32, #tpu.memory_space<hbm>>)
      tpu.yield
    }) : () -> ()
    return
  }
}

module attributes {stable_mosaic.version = 14 : i64} {
  func.func @_tc_body(%arg0: i32, %arg1: memref<1024x2048xf32, #tpu.memory_space<vmem>>, %arg2: memref<16x2048xf32, #tpu.memory_space<vmem>>, %arg3: memref<1x16xf32, #tpu.memory_space<vmem>>, %arg4: memref<1024x16xf32, #tpu.memory_space<vmem>>, %arg5: memref<16x1024xf32, #tpu.memory_space<vmem>>) attributes {dimension_semantics = [#tpu.dimension_semantics<arbitrary>], iteration_bounds = array<i64: 8>, scalar_prefetch = 0 : i64, scratch_operands = 0 : i64, tpu.core_type = #tpu.core_type<tc>, window_params = [{transform_indices = @transform_0, window_bounds = array<i64: 1024, 2048>}, {pipeline_mode = #tpu.pipeline_mode<synchronous>, transform_indices = @transform_1, window_bounds = array<i64: 16, 2048>}, {pipeline_mode = #tpu.pipeline_mode<synchronous>, transform_indices = @transform_2, window_bounds = array<i64: 1, 16>}, {transform_indices = @transform_3, window_bounds = array<i64: 1024, 16>}, {transform_indices = @transform_4, window_bounds = array<i64: 16, 1024>}]} {
    %get3A = arith.constant 0 : index
    %get3A_0 = arith.constant 0 : index
    %get3A_1 = vector.load %arg1[%get3A, %get3A_0] : memref<1024x2048xf32, #tpu.memory_space<vmem>>, vector<1024x2048xf32>
    %get3A_2 = arith.constant 0 : index
    %get3A_3 = arith.constant 0 : index
    %get3A_4 = vector.load %arg2[%get3A_2, %get3A_3] : memref<16x2048xf32, #tpu.memory_space<vmem>>, vector<16x2048xf32>
    %dot_general3A = arith.constant dense<0.000000e+00> : vector<1024x16xf32>
    %dot_general3A_5 = tpu.matmul %get3A_1, %get3A_4, %dot_general3A {dimension_numbers = #tpu.dot_dimension_numbers<[1], [1], [0], [0], [0, 0, 1, 0], [], []>, transpose_lhs_hint = false} : vector<1024x2048xf32>, vector<16x2048xf32>, vector<1024x16xf32> -> vector<1024x16xf32>
    %get3A_6 = arith.constant 0 : index
    %get3A_7 = arith.constant 0 : index
    %get3A_8 = vector.load %arg3[%get3A_6, %get3A_7] : memref<1x16xf32, #tpu.memory_space<vmem>>, vector<1x16xf32>
    %add3A = vector.broadcast %get3A_8 : vector<1x16xf32> to vector<1024x16xf32>
    %add3A_9 = arith.addf %dot_general3A_5, %add3A : vector<1024x16xf32>
    %swap3A = arith.constant 0 : index
    %swap3A_10 = arith.constant 0 : index
    %swap3A_11 = vector.load %arg4[%swap3A, %swap3A_10] : memref<1024x16xf32, #tpu.memory_space<vmem>>, vector<1024x16xf32>
    tpu.vector_store %arg4[%swap3A, %swap3A_10], %add3A_9 {strides = array<i32>} : memref<1024x16xf32, #tpu.memory_space<vmem>>, vector<1024x16xf32>,
    %transpose3A = tpu.transpose %add3A_9, [1, 0] : vector<1024x16xf32> -> vector<16x1024xf32>
    %swap3A_12 = arith.constant 0 : index
    %swap3A_13 = arith.constant 0 : index
    %swap3A_14 = vector.load %arg5[%swap3A_12, %swap3A_13] : memref<16x1024xf32, #tpu.memory_space<vmem>>, vector<16x1024xf32>
    tpu.vector_store %arg5[%swap3A_12, %swap3A_13], %transpose3A {strides = array<i32>} : memref<16x1024xf32, #tpu.memory_space<vmem>>, vector<16x1024xf32>,
    return
  }
  func.func @transform_0(%arg0: i32) -> (i32, i32) {
    %c0_i32 = arith.constant 0 : i32
    %c0_i32_0 = arith.constant 0 : i32
    return %arg0, %c0_i32 : i32, i32
  }
  func.func @transform_1(%arg0: i32) -> (i32, i32) {
    %c0_i32 = arith.constant 0 : i32
    %c0_i32_0 = arith.constant 0 : i32
    %c0_i32_1 = arith.constant 0 : i32
    return %c0_i32, %c0_i32_0 : i32, i32
  }
  func.func @transform_2(%arg0: i32) -> (i32, i32) {
    %c0_i32 = arith.constant 0 : i32
    %c0_i32_0 = arith.constant 0 : i32
    %c0_i32_1 = arith.constant 0 : i32
    return %c0_i32, %c0_i32_0 : i32, i32
  }
  func.func @transform_3(%arg0: i32) -> (i32, i32) {
    %c0_i32 = arith.constant 0 : i32
    %c0_i32_0 = arith.constant 0 : i32
    return %arg0, %c0_i32 : i32, i32
  }
  func.func @transform_4(%arg0: i32) -> (i32, i32) {
    %c0_i32 = arith.constant 0 : i32
    %c0_i32_0 = arith.constant 0 : i32
    return %c0_i32, %arg0 : i32, i32
  }
}

</mosaic_0001>

<sc_bundles>
// kernel: kernel.4.cloned.1.call-start
scs
__scs_entry_jumppad:
0x0: {  	(pc) =	sbr.rel $0x88, $3  }
0x1: {  	(tag) =	ssettag $0x0;
	lr =	simm.s32 $0x1  }
0x2: {  	[smem:$0x3F9E] =	sst lr;
	_ =	strace $0xD0000000  }
0x3: {  	_ = 	snop  }
0x4: {  	_ = 	snop  }
0x5: {  	_ = 	snop  }
0x6: {  	_ = 	snop  }
0x7: {  	_ = 	snop  }
__scs_overlays_trampoline_lowered:
0x8: {  	[smem:$0x3FAD] =	sst s0  }
0x9: {  	[smem:$0x3FAE] =	sst s1  }
0xa: {  	[smem:$0x3FAF] =	sst s2  }
0xb: {  	[smem:$0x3FB0] =	sst s3  }
0xc: {  	[smem:$0x3FB1] =	sst s4  }
0xd: {  	[smem:$0x3FB2] =	sst s5  }
0xe: {  	[smem:$0x3FB3] =	sst s6  }
0xf: {  	[smem:$0x3FB4] =	sst s7  }
0x10: {  	[smem:$0x3FB5] =	sst s8  }
0x11: {  	[smem:$0x3FB6] =	sst s9;
	s0 =	simm.s32 @!p0 $0x0  }
0x12: {  	s1 =	sld [smem:$0x3F9C];
	s0 =	simm.s32 @p0 $0x1  }
0x13: {  	[smem:$0x3FB7] =	sst s0;
	s0 =	simm.s32 @!p1 $0x0  }
0x14: {  	s2 =	sld [smem:$0x3F9B];
	s0 =	simm.s32 @p1 $0x1  }
0x15: {  	[smem:$0x3FB8] =	sst s0;
	s0 =	simm.s32 @!p2 $0x0  }
0x16: {  	s3 =	sld [smem:$0x3FDB];
	s0 =	simm.s32 @p2 $0x1  }
0x17: {  	s4 =	simm.s32 $0x1BF5;
	[smem:$0x3FBA] =	sst s0  }
0x18: {  	s0 =	sld [smem:$0x3F9D];
	_ =	swait.ge [sflag:s4], $0x0  }
0x19: {  	s7 =	sld [smem:$0x3F9E]  }
0x1a: {  	s8 =	sadd.s32 $0xFFFFE003, lr  }
0x1b: {  	s9 =	sadd.s32 $0xFFFFFEF7, lr;
	s5 =	simm.s32 $0xFFFFFFFF;
	p2 =	slt.u32 s8, $0xFFFFF086  }
0x1c: {  	p1 =	slt.u32 s9, $0xF7A;
	s5 =	simm.s32 @!p2 $0x0  }
0x1d: {  	s5 =	simm.s32 @p1 $0x1;
	p0 =	seq.s32 s7, s2  }
0x1e: {  	s7 =	smul.u32 @!p0 $0xF7A, s2;
	p2 =	seq.s32 @!p0 s5, $0x0  }
0x1f: {  	s9 =	smul.u32 $0xF7A, s1;
	s8 =	simm.s32 @!p0 $0x1BF5;
	p2 =	por !p2, p0  }
0x20: {  	[sflag:s8] =	ssyncset.s32 @!p0 $0xFFFFF086;
	s6 =	sadd.s32 @!p0 s3, s7;
	s7 =	simm.s32 @!p0 $0x108  }
0x21: {  	s3 =	sadd.s32 s3, s9;
	s6 =	sadd.s32 @!p0 $0x88, s6;
	s7 =	simm.s32 @p2 $0x1082  }
0x22: {  	[simem:s7], [sflag:s8] =	dma.local @!p0 [hbm:s6], $0xF7A  }
0x23: {  	s9 =	sor.u32 $0xD0000000, s2;
	s6 =	simm.s32 $0x108;
	_ =	swait.ge @!p0 [sflag:s8], $0x0  }
0x24: {  	s3 =	sadd.s32 $0x88, s3;
	s6 =	simm.s32 @!p1 $0x1082;
	[sflag:s4] =	ssyncset.s32 $0xFFFFF086  }
0x25: {  	[simem:s6], [sflag:s4] =	dma.local [hbm:s3], $0xF7A  }
0x26: {  	[smem:$0x3F9E] =	sst s1;
	(tag) =	ssettag s2;
	_ =	strace s9  }
0x27: {  	s1 =	sld [smem:$0x3FAE]  }
0x28: {  	s2 =	sld [smem:$0x3FAF]  }
0x29: {  	s4 =	sld [smem:$0x3FB1]  }
0x2a: {  	p0 =	seq.s32 s5, $0x0;
	s5 =	sld [smem:$0x3FB2]  }
0x2b: {  	s6 =	sld [smem:$0x3FB3]  }
0x2c: {  	s7 =	sld [smem:$0x3FB4]  }
0x2d: {  	s3 =	simm.s32 $0x108;
	s8 =	sld [smem:$0x3FB5]  }
0x2e: {  	s3 =	simm.s32 @!p0 $0x1082;
	s9 =	sld [smem:$0x3FB6]  }
0x2f: {  	lr =	sadd.s32 s0, s3;
	s0 =	sld [smem:$0x3FAD]  }
0x30: {  	s3 =	sld [smem:$0x3FB0]  }
0x31: {  	[smem:$0x3FB9] =	sst s10  }
0x32: {  	s10 =	sld [smem:$0x3FB7];
	_ =	sdelay $0x3  }
0x33: {  	p0 =	seq.s32 s10, $0x1;
	s10 =	sld [smem:$0x3FB9];
	_ =	sdelay $0x3  }
0x34: {  	[smem:$0x3FB9] =	sst s10  }
0x35: {  	s10 =	sld [smem:$0x3FB8];
	_ =	sdelay $0x3  }
0x36: {  	p1 =	seq.s32 s10, $0x1;
	s10 =	sld [smem:$0x3FB9];
	_ =	sdelay $0x3  }
0x37: {  	[smem:$0x3FB9] =	sst s10  }
0x38: {  	s10 =	sld [smem:$0x3FBA]  }
0x39: {  	_ = 	snop;
	(pc) =	sbr.ind lr, $3  }
0x3a: {  	_ = 	snop  }
0x3b: {  	_ = 	snop  }
0x3c: {  	p2 =	seq.s32 s10, $0x1;
	s10 =	sld [smem:$0x3FB9]  }
0x3d: {  	_ =	shalt  }
0x3e: {  	_ =	shalt  }
0x3f: {  	_ =	shalt  }
0x40: {  	_ =	shalt  }
0x41: {  	_ =	shalt  }
0x42: {  	_ =	shalt  }
0x43: {  	_ =	shalt  }
0x44: {  	_ =	shalt  }
0x45: {  	_ =	shalt  }
0x46: {  	_ =	shalt  }
0x47: {  	_ =	shalt  }
0x48: {  	_ =	shalt  }
0x49: {  	_ =	shalt  }
0x4a: {  	_ =	shalt  }
0x4b: {  	_ =	shalt  }
0x4c: {  	_ =	shalt  }
0x4d: {  	_ =	shalt  }
0x4e: {  	_ =	shalt  }
0x4f: {  	_ =	shalt  }
0x50: {  	_ =	shalt  }
0x51: {  	_ =	shalt  }
0x52: {  	_ =	shalt  }
0x53: {  	_ =	shalt  }
0x54: {  	_ =	shalt  }
0x55: {  	_ =	shalt  }
0x56: {  	_ =	shalt  }
0x57: {  	_ =	shalt  }
0x58: {  	_ =	shalt  }
0x59: {  	_ =	shalt  }
0x5a: {  	_ =	shalt  }
0x5b: {  	_ =	shalt  }
0x5c: {  	_ =	shalt  }
0x5d: {  	_ =	shalt  }
0x5e: {  	_ =	shalt  }
0x5f: {  	_ =	shalt  }
0x60: {  	_ =	shalt  }
0x61: {  	_ =	shalt  }
0x62: {  	_ =	shalt  }
0x63: {  	_ =	shalt  }
0x64: {  	_ =	shalt  }
0x65: {  	_ =	shalt  }
0x66: {  	_ =	shalt  }
0x67: {  	_ =	shalt  }
0x68: {  	_ =	shalt  }
0x69: {  	_ =	shalt  }
0x6a: {  	_ =	shalt  }
0x6b: {  	_ =	shalt  }
0x6c: {  	_ =	shalt  }
0x6d: {  	_ =	shalt  }
0x6e: {  	_ =	shalt  }
0x6f: {  	_ =	shalt  }
0x70: {  	_ =	shalt  }
0x71: {  	_ =	shalt  }
0x72: {  	_ =	shalt  }
0x73: {  	_ =	shalt  }
0x74: {  	_ =	shalt  }
0x75: {  	_ =	shalt  }
0x76: {  	_ =	shalt  }
0x77: {  	_ =	shalt  }
0x78: {  	_ =	shalt  }
0x79: {  	_ =	shalt  }
0x7a: {  	_ =	shalt  }
0x7b: {  	_ =	shalt  }
0x7c: {  	_ =	shalt  }
0x7d: {  	_ =	shalt  }
0x7e: {  	_ =	shalt  }
0x7f: {  	_ =	shalt  }
0x80: {  	_ =	shalt  }
0x81: {  	_ =	shalt  }
0x82: {  	_ =	shalt  }
0x83: {  	_ =	shalt  }
0x84: {  	_ =	shalt  }
0x85: {  	_ =	shalt  }
0x86: {  	_ =	shalt  }
0x87: {  	_ =	shalt  }
.Lfunc_end0:
.L_simem_size_0:
called_computation_lowered:
.L_overlay_start_0:
0x88: {  	s2 =	sld [smem:$0x3FD9]  }
0x89: {  	s3 =	sld [smem:$0x3FFE];
	_ =	sdelay $0x1  }
0x8a: {  	s1 =	srdreg.scid  }
0x8b: {  	s0 =	sand.u32 $0x1, s1  }
0x8c: {  	s15 =	sshll.u32 s0, $0xA;
	s2 =	sadd.s32 s3, s2  }
0x8d: {  	s2 =	sadd.s32 s2, s15  }
0x8e: {  	[smem:$0x3FC5] =	sst s2  }
0x8f: {  	_ = 	snop  }
0x90: {  	s2 =	sld [smem:$0x3FD0];
	_ =	sdelay $0x2  }
0x91: {  	s16 =	simm.s32 $0xA;
	s4 =	simm.s32 $0x10  }
0x92: {  	[smem:s4], [sflag:s16] =	dma.local [hbm:s2], $0x1  }
0x93: {  	_ =	swait.eq [sflag:s16], $0x1  }
0x94: {  	[sflag:s16] =	ssyncset.done $0x0  }
0x95: {  	s17 =	sld [smem:$0x12];
	[sflag:s16] =	ssyncadd.s32 $0xFFFFFFFF  }
0x96: {  	s18 =	sld [smem:$0x13];
	(tm) =	ssettm $0x1  }
0x97: {  	s19 =	sld [smem:$0x3FFB];
	_ =	sdelay $0x3  }
0x98: {  	_ =	strace s19  }
0x99: {  	s4 =	sld [smem:$0x3FFC];
	_ =	sdelay $0x3  }
0x9a: {  	_ =	strace s4  }
0x9b: {  	s4 =	sld [smem:$0x3FFD];
	_ =	sdelay $0x3  }
0x9c: {  	_ =	strace s4  }
0x9d: {  	_ =	strace $0x8FFFFFFF  }
0x9e: {  	s20 =	sld [smem:$0x3FDB];
	_ =	sdelay $0x1  }
0x9f: {  	s5 =	simm.s32 $_scs_section_size  }
0xa0: {  	s6 =	simm.s32 $_size__tile_overlayer_lowered;
	s7 =	simm.s32 $_tile_overlayer_lowered  }
0xa1: {  	s23 =	simm.s32 $0x1BFF;
	s22 =	sshll.u32 s7, $0x1;
	s4 =	sadd.s32 s5, s20  }
0xa2: {  	s8 =	simm.s32 $0x0;
	s21 =	sshll.u32 s6, $0x1;
	s6 =	sadd.s32 s22, s4  }
0xa3: {  	[timem:s8], [sflag:s23] =	dma.local [hbm:s6], s21  }
0xa4: {  	_ =	swait.ge [sflag:s23], s21  }
0xa5: {  	s5 =	ssub.s32 $0x0, s21;
	[sflag:s23] =	ssyncset.done $0x0  }
0xa6: {  	[sflag:s23] =	ssyncadd.s32 s5;
	_ =	sdelay $0x1  }
0xa7: {  	s24 =	simm.s32 $0x1B8B  }
0xa8: {  	_ =	swait.ge [sflag:s24], $0x1  }
0xa9: {  	[sflag:s24] =	ssyncset.done $0x0  }
0xaa: {  	s25 =	simm.s32 $0x1B8E;
	[sflag:s24] =	ssyncadd.s32 $0xFFFFFFFF  }
0xab: {  	s26 =	simm.s32 $execute0_lowered;
	[smem:$0x3FD2] =	sst s25  }
0xac: {  	s5 =	sshll.u32 s26, $0x1;
	_ =	strace $0x80000046;
	[dreg:$0x1] =	wrdreg $0xFFFFFFFF  }
0xad: {  	s28 =	simm.s32 $_size_execute0_lowered;
	s4 =	sadd.s32 s4, s5;
	[dreg:$0x0] =	wrdreg $0x0  }
0xae: {  	s5 =	sshll.u32 s28, $0x1;
	[dreg:$0x2] =	wrdreg s4  }
0xaf: {  	[dreg:$0x3] =	wrdreg s5  }
0xb0: {  	[dreg:$0x4] =	wrdreg $0xC0  }
0xb1: {  	_ =	task [dreg:s8], $0x5FFFF  }
0xb2: {  	[dreg:$0x1] =	wrdreg $0xFFFFFFFF  }
0xb3: {  	[dreg:$0x0] =	wrdreg $0x60  }
0xb4: {  	[dreg:$0x2] =	wrdreg s18  }
0xb5: {  	[dreg:$0x3] =	wrdreg s17  }
0xb6: {  	[dreg:$0x4] =	wrdreg $0x9  }
0xb7: {  	_ =	task.clear_ibuf [dreg:s8], $0x5FFFF;
	_ =	strace $0x90000046  }
0xb8: {  	s29 =	simm.s32 $0x9;
	_ =	strace $0x80000048  }
0xb9: {  	_ =	swait.ge [sflag:s29], $0x1  }
0xba: {  	[sflag:s29] =	ssyncadd.s32 $0xFFFFFFFF  }
0xbb: {  	_ =	strace $0x90000048  }
0xbc: {  	_ =	sfence  }
0xbd: {  	s30 =	sld [smem:$0x0];
	_ =	sdelay $0x2  }
0xbe: {  	s31 =	sshll.u32 s1, $0xD;
	s1 =	sshrl.u32 s1, $0x2  }
0xbf: {  	s3 =	sand.u32 $0x4000, s31;
	s1 =	sadd.s32 s1, s30  }
0xc0: {  	s0 =	sor.u32 s3, s0;
	s1 =	sshll.u32 s1, $0x11  }
0xc1: {  	s0 =	sor.u32 s1, s0  }
0xc2: {  	s0 =	sadd.s32 $0x8F2B, s0  }
0xc3: {  	[sflag:s0] =	ssyncadd.remote.s32 $0x1  }
0xc4: {  	_ =	sfence.sel $0xFFFF  }
0xc5: {  	[dreg:$0x0] =	wrdreg $0xFFFFFFFF;
	(pc) =	sbr.abs _section_cstart, $3  }
0xc6: {  	[dreg:$0x1] =	wrdreg $0xFFFFFFFF  }
0xc7: {  	_ =	task.clear_ibuf [dreg:s8], $0x2FFFF;
	_ =	strace $0x9FFFFFFF  }
0xc8: {  	(tm) =	ssettm $0x7FFFFFFF  }
0xc9: {  	_ =	shalt  }
tec
execute0_lowered:
.L_overlay_start_1:
0x0: {  	(tag) =	ssettag $0x1  }
0x1: {  	s1 =	rddreg [dreg:$0x0]  }
0x2: {  	s2 =	rddreg [dreg:$0x1];
	s3 =	simm.s32 $0x0  }
0x3: {  	[smem:$0x7FF] =	sst s3  }
0x4: {  	s0 =	rddreg [dreg:$0x2];
	s4 =	simm.s32 $0x1;
	_ =	strace $0x80000047  }
0x5: {  	[tilespmem:s3], [sflag:$0x1] =	stream.linear.gather [hbm4b:s1+s3], $0x10, $0x38;
	[tilespmem:$0x80] =	vst v63  }
0x6: {  	_ =	swait.ge [sflag:s4], $0x10  }
0x7: {  	[sflag:s4] =	ssyncset.done $0x0  }
0x8: {  	s5 =	srdreg.scid;
	[sflag:s4] =	ssyncadd.s32 $0xFFFFFFF0  }
0x9: {  	s5 =	sand.u32 $0x1, s5;
	v0 =	vld [tilespmem:$0x0]  }
0xa: {  	s5 =	ssub.s32 $0x2, s5  }
0xb: {  	s6 =	sshrl.u32 s5, $0x1  }
0xc: {  	s5 =	ssub.s32 s5, s6  }
0xd: {  	s6 =	smax.u32 s5, $0x1  }
0xe: {  	p0 =	sne.s32 s6, $0x1;
	v0 =	vadd.f32 $1.000000000e+00, v0  }
.Ltmp0:
0xf: {  	_ = 	snop;
	(pc) =	sbr.rel @!p0 .LBB2_2-.Ltmp0, $4  }
0x10: {  	[tilespmem:$0x0] =	vst v0  }
0x11: {  	[hbm4b:s2+s3] =	stream.linear.scatter [tilespmem:s3], [sflag:$0x1], $0x80, $0x38;
	[tilespmem:$0x80] =	vst v63  }
0x12: {  	_ =	swait.ge [sflag:s4], $0x80  }
0x13: {  	s5 =	stileid.u32;
	s6 =	sadd.s32 $0xFFFFFFFF, s6;
	[sflag:s4] =	ssyncset.done $0x0  }
.LBB2_1:
0x14: {  	p0 =	sne.s32 s6, $0x1;
	s6 =	sadd.s32 $0xFFFFFFFF, s6;
	[sflag:s4] =	ssyncadd.s32 $0xFFFFFF80  }
0x15: {  	[tilespmem:s3], [sflag:$0x1] =	stream.linear.gather [hbm4b:s1+s3], $0x10, $0x38;
	[tilespmem:$0x80] =	vst v63  }
0x16: {  	_ =	swait.ge [sflag:s4], $0x10  }
0x17: {  	[sflag:s4] =	ssyncset.done $0x0  }
0x18: {  	[sflag:s4] =	ssyncadd.s32 $0xFFFFFFF0  }
0x19: {  	v0 =	vld [tilespmem:$0x0];
	_ =	sdelay $0x4  }
0x1a: {  	v0 =	vadd.f32 $1.000000000e+00, v0  }
.Ltmp1:
0x1b: {  	(pc) =	sbr.rel @p0 .LBB2_1-.Ltmp1, $4  }
0x1c: {  	[tilespmem:$0x0] =	vst v0  }
0x1d: {  	[hbm4b:s2+s3] =	stream.linear.scatter [tilespmem:s3], [sflag:$0x1], $0x80, $0x38;
	[tilespmem:$0x80] =	vst v63  }
0x1e: {  	_ =	swait.ge [sflag:s4], $0x80  }
0x1f: {  	[sflag:s4] =	ssyncset.done $0x0  }
.LBB2_2:
0x20: {  	[sflag:s4] =	ssyncadd.s32 $0xFFFFFF80  }
0x21: {  	_ =	sfence.sel $0x180000  }
0x22: {  	[bflag:$0x0] =	sbarrier.arrive $0xFFFF  }
0x23: {  	p0 =	sne.s32 s5, $0x0;
	_ =	strace $0x90000047  }
0x24: {  	s0 =	sadd.s32 @!p0 $0x100000, s0;
	[bflag:$0x2] =	sbarrier.arrive $0xFFFF  }
0x25: {  	[sflag:s0] =	ssyncadd.tile.s32 @!p0 $0x1;
	_ =	shalt  }
.Lfunc_end2:
_tile_overlayer_lowered:
.L_overlay_start_2:
0x26: {  	(tag) =	ssettag $0x2  }
0x27: {  	s0 =	rddreg [dreg:$0x0];
	s2 =	stileid.u32  }
0x28: {  	s1 =	rddreg [dreg:$0x1];
	p0 =	sne.s32 s2, $0x0  }
0x29: {  	s3 =	rddreg [dreg:$0x2];
	[bflag:$0x3] =	sbarrier.arrive $0xFFFF;
	s2 =	simm.s32 @!p0 $0x1C01  }
0x2a: {  	[timem:s3], [sflag:s2] =	dma.local @!p0 [hbm:s0], s1  }
0x2b: {  	s0 =	simm.s32 @!p0 $0x1  }
0x2c: {  	_ =	swait.ge @!p0 [sflag:s0], s1  }
0x2d: {  	s1 =	ssub.s32 @!p0 $0x0, s1;
	[sflag:s0] =	ssyncset.done @!p0 $0x0  }
0x2e: {  	[sflag:s0] =	ssyncadd.s32 @!p0 s1  }
0x2f: {  	[bflag:$0x3] =	sbarrier.arrive $0xFFFF  }
0x30: {  	_ =	shalt  }

</sc_bundles>
